<compile_context>
chip_gen: v7x
topology: tpu7x:2x2x1
jax: 0.10.2.dev20260603
libtpu: 0.0.44.dev20260713+nightly
codegen_flags: <defaults>
</compile_context>

<pallas_src>
import jax
import jax.numpy as jnp
from jax import lax
from jax.experimental import pallas as pl
from jax.experimental.pallas import tpu as pltpu
from jax.experimental.pallas import tpu_sc as plsc

_N = 32768
_E = 8
_K = 2
_D = 768
_TOK_BLK = 4096

_NC = 2
_NS = 16
_L = 16
_NW = _NC * _NS


def _logits_body(w_ref, x_ref, out_ref):
    out_ref[...] = lax.dot_general(
        w_ref[...], x_ref[...],
        dimension_numbers=(((1,), (1,)), ((), ())),
        preferred_element_type=jnp.float32,
    )


def _compute_logits(x, gate_w):
    return pl.pallas_call(
        _logits_body,
        grid=(_N // _TOK_BLK,),
        in_specs=[
            pl.BlockSpec((_E, _D), lambda i: (0, 0)),
            pl.BlockSpec((_TOK_BLK, _D), lambda i: (i, 0)),
        ],
        out_specs=pl.BlockSpec((_E, _TOK_BLK), lambda i: (0, i)),
        out_shape=jax.ShapeDtypeStruct((_E, _N), jnp.float32),
        compiler_params=pltpu.CompilerParams(
            dimension_semantics=("parallel",),
        ),
    )(gate_w, x)


def _route_chunk(vs, off, iota, ones_f, mask_v, w_v, idx_v):
    m1 = vs[0]
    i1 = jnp.zeros((_L,), jnp.int32)
    for e in range(1, _E):
        b = vs[e] > m1
        m1 = jnp.where(b, vs[e], m1)
        i1 = jnp.where(b, jnp.full((_L,), e, jnp.int32), i1)
    m2 = jnp.full((_L,), -jnp.inf, jnp.float32)
    i2 = jnp.zeros((_L,), jnp.int32)
    for e in range(_E):
        b = jnp.logical_and(vs[e] > m2, i1 != e)
        m2 = jnp.where(b, vs[e], m2)
        i2 = jnp.where(b, jnp.full((_L,), e, jnp.int32), i2)
    t = jnp.exp(m2 - m1)
    denom = 1.0 + t
    w1 = 1.0 / denom
    w2 = t / denom

    tok = off + iota
    zeros_f = jnp.zeros((_L,), jnp.float32)
    for r in range(_E):
        mask_v[pl.ds(off * _E + r * _L, _L)] = zeros_f
    plsc.store_scatter(mask_v, [tok * _E + i1], ones_f)
    plsc.store_scatter(mask_v, [tok * _E + i2], ones_f)
    plsc.store_scatter(w_v, [tok * _K], w1)
    plsc.store_scatter(w_v, [tok * _K + 1], w2)
    plsc.store_scatter(idx_v, [tok * _K], i1)
    plsc.store_scatter(idx_v, [tok * _K + 1], i2)


def _make_route(n_tok):
    tpw = n_tok // _NW
    chunks = tpw // _L

    def body(lg_hbm, mask_hbm, w_hbm, idx_hbm, lg_v, mask_v, w_v, idx_v):
        wid = lax.axis_index("s") * _NC + lax.axis_index("c")
        base = wid * tpw
        pltpu.sync_copy(lg_hbm.at[:, pl.ds(base, tpw)], lg_v)

        iota = lax.iota(jnp.int32, _L)
        ones_f = jnp.ones((_L,), jnp.float32)

        def chunk(j, carry):
            off = j * _L
            vs = [lg_v[e, pl.ds(off, _L)] for e in range(_E)]
            _route_chunk(vs, off, iota, ones_f, mask_v, w_v, idx_v)
            return carry

        lax.fori_loop(0, chunks, chunk, 0)

        pltpu.sync_copy(mask_v, mask_hbm.at[pl.ds(base * _E, tpw * _E)])
        pltpu.sync_copy(w_v, w_hbm.at[pl.ds(base * _K, tpw * _K)])
        pltpu.sync_copy(idx_v, idx_hbm.at[pl.ds(base * _K, tpw * _K)])

    mesh = plsc.VectorSubcoreMesh(core_axis_name="c", subcore_axis_name="s")
    return pl.kernel(
        body,
        mesh=mesh,
        compiler_params=pltpu.CompilerParams(needs_layout_passes=False),
        out_type=[
            jax.ShapeDtypeStruct((n_tok * _E,), jnp.float32),
            jax.ShapeDtypeStruct((n_tok * _K,), jnp.float32),
            jax.ShapeDtypeStruct((n_tok * _K,), jnp.int32),
        ],
        scratch_types=[
            pltpu.VMEM((_E, tpw), jnp.float32),
            pltpu.VMEM((tpw * _E,), jnp.float32),
            pltpu.VMEM((tpw * _K,), jnp.float32),
            pltpu.VMEM((tpw * _K,), jnp.int32),
        ],
    )


def kernel(x, gate_w):
    logits_t = _compute_logits(x, gate_w)
    mask, w, idx = _make_route(_N)(logits_t)
    return (
        mask.reshape(_N, _E),
        w.reshape(_N, _K),
        idx.reshape(_N, _K),
    )

# --- scband reference (transcript-rebuilt; emitter-appended) ---
"""Pipeline reference for scband-top-krouter-87067577024915 (READ-ONLY COPY).

The authoritative reference and input builder live on the scoring server;
editing this copy changes nothing except your own understanding.
"""

import jax, jax.numpy as jnp
import numpy as np

N_EXPERTS = 8
TOP_K = 2
DIM = 768
N_TOK = 32768
SCALE = 1.0


def setup_inputs(seed: int = 0) -> dict:
    key = jax.random.key(seed)
    k1, k2 = jax.random.split(key)
    x = jax.random.normal(k1, (N_TOK, DIM), dtype=jnp.float32)
    # nn.Linear(dim, n_experts, bias=False) -> weight shape (n_experts, dim)
    gate_w = jax.random.normal(k2, (N_EXPERTS, DIM), dtype=jnp.float32) * (1.0 / np.sqrt(DIM))
    return {"x": x, "gate_w": gate_w}


def reference(x, gate_w):
    # logits = Linear(x) * routing_scale_factor
    logits = (x @ gate_w.T) * SCALE  # (N, E)
    # top-k over experts
    topk_weights, expert_indices = jax.lax.top_k(logits, TOP_K)  # (N, k)
    topk_weights = jax.nn.softmax(topk_weights, axis=-1)
    # expert_mask: zeros_like(logits).scatter_(-1, expert_indices, ones)
    rows = jnp.arange(logits.shape[0])[:, None]
    expert_mask = jnp.zeros_like(logits).at[rows, expert_indices].set(1.0)
    return expert_mask, topk_weights, expert_indices

if __name__ == "__main__":
    import jax
    _d = setup_inputs()
    print(jax.jit(kernel)(*tuple(_d.values())))

</pallas_src>

<mosaic_0001>
#map = affine_map<(d0, d1) -> (0, 0)>
#map1 = affine_map<(d0, d1) -> (0)>
module attributes {stable_mosaic.version = 14 : i64} {
  func.func @body(%arg0: i32, %arg1: i32, %arg2: memref<8x32768xf32, #tpu.memory_space<hbm>>, %arg3: memref<262144xf32, #tpu.memory_space<hbm>>, %arg4: memref<65536xf32, #tpu.memory_space<hbm>>, %arg5: memref<65536xi32, #tpu.memory_space<hbm>>, %arg6: memref<8x1024xf32, #tpu.memory_space<vmem>>, %arg7: memref<8192xf32, #tpu.memory_space<vmem>>, %arg8: memref<2048xf32, #tpu.memory_space<vmem>>, %arg9: memref<2048xi32, #tpu.memory_space<vmem>>) attributes {dimension_semantics = [#tpu.dimension_semantics<core_parallel>, #tpu.dimension_semantics<subcore_parallel>], iteration_bounds = array<i64: 2, 16>, scalar_prefetch = 0 : i64, scratch_operands = 4 : i64, tpu.core_type = #tpu.core_type<sc_vector_subcore>, window_params = [{transform_indices = #map}, {transform_indices = #map1}, {transform_indices = #map1}, {transform_indices = #map1}]} {
    %mul3A = arith.constant 2 : i32
    %mul3A_0 = arith.muli %arg1, %mul3A : i32
    %add3A = arith.addi %mul3A_0, %arg0 : i32
    %mul3A_1 = arith.constant 1024 : i32
    %mul3A_2 = arith.muli %add3A, %mul3A_1 : i32
    "tpu.region"() ({
      %run_scoped3A = tpu.sem_alloc : memref<!tpu.dma_semaphore, #tpu.memory_space<semaphore_mem>>
      %dma_start3A = arith.constant 0 : i32
      %dma_start3A_15 = tpu.memref_slice %arg2[%dma_start3A, %mul3A_2] : memref<8x32768xf32, #tpu.memory_space<hbm>> -> memref<8x1024xf32, #tpu.memory_space<hbm>>
      %dma_start3A_16 = arith.constant 0 : i32
      %dma_start3A_17 = tpu.memref_slice %arg2[%dma_start3A_16, %mul3A_2] : memref<8x32768xf32, #tpu.memory_space<hbm>> -> memref<8x1024xf32, #tpu.memory_space<hbm>>
      tpu.enqueue_dma source(%dma_start3A_17 : memref<8x1024xf32, #tpu.memory_space<hbm>>) target(%arg6 : memref<8x1024xf32, #tpu.memory_space<vmem>>) target_semaphore(%run_scoped3A : memref<!tpu.dma_semaphore, #tpu.memory_space<semaphore_mem>>)
      %dma_wait3A = arith.constant 0 : i32
      %dma_wait3A_18 = tpu.memref_slice %arg2[%dma_wait3A, %mul3A_2] : memref<8x32768xf32, #tpu.memory_space<hbm>> -> memref<8x1024xf32, #tpu.memory_space<hbm>>
      %dma_wait3A_19 = arith.constant 0 : i32
      %dma_wait3A_20 = tpu.memref_slice %arg2[%dma_wait3A_19, %mul3A_2] : memref<8x32768xf32, #tpu.memory_space<hbm>> -> memref<8x1024xf32, #tpu.memory_space<hbm>>
      tpu.wait_dma2 semaphore(%run_scoped3A : memref<!tpu.dma_semaphore, #tpu.memory_space<semaphore_mem>>) src(%dma_wait3A_20 : memref<8x1024xf32, #tpu.memory_space<hbm>>) dst(%arg6 : memref<8x1024xf32, #tpu.memory_space<vmem>>)
      tpu.yield
    }) : () -> ()
    %iota3A = tpu.iota {dimensions = array<i32: 0>} : vector<16xi32>
    %broadcast_in_dim3A = arith.constant 1.000000e+00 : f32
    %broadcast_in_dim3A_3 = vector.broadcast %broadcast_in_dim3A : f32 to vector<16xf32>
    %scan3A = arith.constant 0 : i32
    %scan3A_4 = arith.constant 0 : i32
    %scan3A_5 = arith.constant 64 : i32
    %scan3A_6 = arith.addi %scan3A_4, %scan3A_5 : i32
    %scan3A_7 = arith.constant 1 : i32
    scf.for %scan3A_15 = %scan3A_4 to %scan3A_6 step %scan3A_7  : i32 {
      %mul3A_16 = arith.constant 16 : i32
      %mul3A_17 = arith.muli %scan3A_15, %mul3A_16 : i32
      %get3A = arith.constant 0 : i32
      %get3A_18 = arith.index_cast %get3A : i32 to index
      %get3A_19 = arith.index_cast %mul3A_17 : i32 to index
      %get3A_20 = tpu.vector_load %arg6[%get3A_18, %get3A_19] {strides = array<i32>} : memref<8x1024xf32, #tpu.memory_space<vmem>>, vector<16xf32>,
      %get3A_21 = arith.constant 1 : i32
      %get3A_22 = arith.index_cast %get3A_21 : i32 to index
      %get3A_23 = arith.index_cast %mul3A_17 : i32 to index
      %get3A_24 = tpu.vector_load %arg6[%get3A_22, %get3A_23] {strides = array<i32>} : memref<8x1024xf32, #tpu.memory_space<vmem>>, vector<16xf32>,
      %get3A_25 = arith.constant 2 : i32
      %get3A_26 = arith.index_cast %get3A_25 : i32 to index
      %get3A_27 = arith.index_cast %mul3A_17 : i32 to index
      %get3A_28 = tpu.vector_load %arg6[%get3A_26, %get3A_27] {strides = array<i32>} : memref<8x1024xf32, #tpu.memory_space<vmem>>, vector<16xf32>,
      %get3A_29 = arith.constant 3 : i32
      %get3A_30 = arith.index_cast %get3A_29 : i32 to index
      %get3A_31 = arith.index_cast %mul3A_17 : i32 to index
      %get3A_32 = tpu.vector_load %arg6[%get3A_30, %get3A_31] {strides = array<i32>} : memref<8x1024xf32, #tpu.memory_space<vmem>>, vector<16xf32>,
      %get3A_33 = arith.constant 4 : i32
      %get3A_34 = arith.index_cast %get3A_33 : i32 to index
      %get3A_35 = arith.index_cast %mul3A_17 : i32 to index
      %get3A_36 = tpu.vector_load %arg6[%get3A_34, %get3A_35] {strides = array<i32>} : memref<8x1024xf32, #tpu.memory_space<vmem>>, vector<16xf32>,
      %get3A_37 = arith.constant 5 : i32
      %get3A_38 = arith.index_cast %get3A_37 : i32 to index
      %get3A_39 = arith.index_cast %mul3A_17 : i32 to index
      %get3A_40 = tpu.vector_load %arg6[%get3A_38, %get3A_39] {strides = array<i32>} : memref<8x1024xf32, #tpu.memory_space<vmem>>, vector<16xf32>,
      %get3A_41 = arith.constant 6 : i32
      %get3A_42 = arith.index_cast %get3A_41 : i32 to index
      %get3A_43 = arith.index_cast %mul3A_17 : i32 to index
      %get3A_44 = tpu.vector_load %arg6[%get3A_42, %get3A_43] {strides = array<i32>} : memref<8x1024xf32, #tpu.memory_space<vmem>>, vector<16xf32>,
      %get3A_45 = arith.constant 7 : i32
      %get3A_46 = arith.index_cast %get3A_45 : i32 to index
      %get3A_47 = arith.index_cast %mul3A_17 : i32 to index
      %get3A_48 = tpu.vector_load %arg6[%get3A_46, %get3A_47] {strides = array<i32>} : memref<8x1024xf32, #tpu.memory_space<vmem>>, vector<16xf32>,
      %broadcast_in_dim3A_49 = arith.constant 0 : i32
      %broadcast_in_dim3A_50 = vector.broadcast %broadcast_in_dim3A_49 : i32 to vector<16xi32>
      %gt3A = arith.cmpf ogt, %get3A_24, %get3A_20 : vector<16xf32>
      %select_n3A = arith.select %gt3A, %get3A_24, %get3A_20 : vector<16xi1>, vector<16xf32>
      %broadcast_in_dim3A_51 = arith.constant 1 : i32
      %broadcast_in_dim3A_52 = vector.broadcast %broadcast_in_dim3A_51 : i32 to vector<16xi32>
      %select_n3A_53 = arith.select %gt3A, %broadcast_in_dim3A_52, %broadcast_in_dim3A_50 : vector<16xi1>, vector<16xi32>
      %gt3A_54 = arith.cmpf ogt, %get3A_28, %select_n3A : vector<16xf32>
      %select_n3A_55 = arith.select %gt3A_54, %get3A_28, %select_n3A : vector<16xi1>, vector<16xf32>
      %broadcast_in_dim3A_56 = arith.constant 2 : i32
      %broadcast_in_dim3A_57 = vector.broadcast %broadcast_in_dim3A_56 : i32 to vector<16xi32>
      %select_n3A_58 = arith.select %gt3A_54, %broadcast_in_dim3A_57, %select_n3A_53 : vector<16xi1>, vector<16xi32>
      %gt3A_59 = arith.cmpf ogt, %get3A_32, %select_n3A_55 : vector<16xf32>
      %select_n3A_60 = arith.select %gt3A_59, %get3A_32, %select_n3A_55 : vector<16xi1>, vector<16xf32>
      %broadcast_in_dim3A_61 = arith.constant 3 : i32
      %broadcast_in_dim3A_62 = vector.broadcast %broadcast_in_dim3A_61 : i32 to vector<16xi32>
      %select_n3A_63 = arith.select %gt3A_59, %broadcast_in_dim3A_62, %select_n3A_58 : vector<16xi1>, vector<16xi32>
      %gt3A_64 = arith.cmpf ogt, %get3A_36, %select_n3A_60 : vector<16xf32>
      %select_n3A_65 = arith.select %gt3A_64, %get3A_36, %select_n3A_60 : vector<16xi1>, vector<16xf32>
      %broadcast_in_dim3A_66 = arith.constant 4 : i32
      %broadcast_in_dim3A_67 = vector.broadcast %broadcast_in_dim3A_66 : i32 to vector<16xi32>
      %select_n3A_68 = arith.select %gt3A_64, %broadcast_in_dim3A_67, %select_n3A_63 : vector<16xi1>, vector<16xi32>
      %gt3A_69 = arith.cmpf ogt, %get3A_40, %select_n3A_65 : vector<16xf32>
      %select_n3A_70 = arith.select %gt3A_69, %get3A_40, %select_n3A_65 : vector<16xi1>, vector<16xf32>
      %broadcast_in_dim3A_71 = arith.constant 5 : i32
      %broadcast_in_dim3A_72 = vector.broadcast %broadcast_in_dim3A_71 : i32 to vector<16xi32>
      %select_n3A_73 = arith.select %gt3A_69, %broadcast_in_dim3A_72, %select_n3A_68 : vector<16xi1>, vector<16xi32>
      %gt3A_74 = arith.cmpf ogt, %get3A_44, %select_n3A_70 : vector<16xf32>
      %select_n3A_75 = arith.select %gt3A_74, %get3A_44, %select_n3A_70 : vector<16xi1>, vector<16xf32>
      %broadcast_in_dim3A_76 = arith.constant 6 : i32
      %broadcast_in_dim3A_77 = vector.broadcast %broadcast_in_dim3A_76 : i32 to vector<16xi32>
      %select_n3A_78 = arith.select %gt3A_74, %broadcast_in_dim3A_77, %select_n3A_73 : vector<16xi1>, vector<16xi32>
      %gt3A_79 = arith.cmpf ogt, %get3A_48, %select_n3A_75 : vector<16xf32>
      %select_n3A_80 = arith.select %gt3A_79, %get3A_48, %select_n3A_75 : vector<16xi1>, vector<16xf32>
      %broadcast_in_dim3A_81 = arith.constant 7 : i32
      %broadcast_in_dim3A_82 = vector.broadcast %broadcast_in_dim3A_81 : i32 to vector<16xi32>
      %select_n3A_83 = arith.select %gt3A_79, %broadcast_in_dim3A_82, %select_n3A_78 : vector<16xi1>, vector<16xi32>
      %broadcast_in_dim3A_84 = arith.constant 0xFF800000 : f32
      %broadcast_in_dim3A_85 = vector.broadcast %broadcast_in_dim3A_84 : f32 to vector<16xf32>
      %broadcast_in_dim3A_86 = arith.constant 0 : i32
      %broadcast_in_dim3A_87 = vector.broadcast %broadcast_in_dim3A_86 : i32 to vector<16xi32>
      %gt3A_88 = arith.cmpf ogt, %get3A_20, %broadcast_in_dim3A_85 : vector<16xf32>
      %ne3A = arith.constant 0 : i32
      %ne3A_89 = vector.broadcast %ne3A : i32 to vector<16xi32>
      %ne3A_90 = arith.cmpi ne, %select_n3A_83, %ne3A_89 : vector<16xi32>
      %and3A = arith.andi %gt3A_88, %ne3A_90 : vector<16xi1>
      %select_n3A_91 = arith.select %and3A, %get3A_20, %broadcast_in_dim3A_85 : vector<16xi1>, vector<16xf32>
      %broadcast_in_dim3A_92 = arith.constant 0 : i32
      %broadcast_in_dim3A_93 = vector.broadcast %broadcast_in_dim3A_92 : i32 to vector<16xi32>
      %select_n3A_94 = arith.select %and3A, %broadcast_in_dim3A_93, %broadcast_in_dim3A_87 : vector<16xi1>, vector<16xi32>
      %gt3A_95 = arith.cmpf ogt, %get3A_24, %select_n3A_91 : vector<16xf32>
      %ne3A_96 = arith.constant 1 : i32
      %ne3A_97 = vector.broadcast %ne3A_96 : i32 to vector<16xi32>
      %ne3A_98 = arith.cmpi ne, %select_n3A_83, %ne3A_97 : vector<16xi32>
      %and3A_99 = arith.andi %gt3A_95, %ne3A_98 : vector<16xi1>
      %select_n3A_100 = arith.select %and3A_99, %get3A_24, %select_n3A_91 : vector<16xi1>, vector<16xf32>
      %broadcast_in_dim3A_101 = arith.constant 1 : i32
      %broadcast_in_dim3A_102 = vector.broadcast %broadcast_in_dim3A_101 : i32 to vector<16xi32>
      %select_n3A_103 = arith.select %and3A_99, %broadcast_in_dim3A_102, %select_n3A_94 : vector<16xi1>, vector<16xi32>
      %gt3A_104 = arith.cmpf ogt, %get3A_28, %select_n3A_100 : vector<16xf32>
      %ne3A_105 = arith.constant 2 : i32
      %ne3A_106 = vector.broadcast %ne3A_105 : i32 to vector<16xi32>
      %ne3A_107 = arith.cmpi ne, %select_n3A_83, %ne3A_106 : vector<16xi32>
      %and3A_108 = arith.andi %gt3A_104, %ne3A_107 : vector<16xi1>
      %select_n3A_109 = arith.select %and3A_108, %get3A_28, %select_n3A_100 : vector<16xi1>, vector<16xf32>
      %broadcast_in_dim3A_110 = arith.constant 2 : i32
      %broadcast_in_dim3A_111 = vector.broadcast %broadcast_in_dim3A_110 : i32 to vector<16xi32>
      %select_n3A_112 = arith.select %and3A_108, %broadcast_in_dim3A_111, %select_n3A_103 : vector<16xi1>, vector<16xi32>
      %gt3A_113 = arith.cmpf ogt, %get3A_32, %select_n3A_109 : vector<16xf32>
      %ne3A_114 = arith.constant 3 : i32
      %ne3A_115 = vector.broadcast %ne3A_114 : i32 to vector<16xi32>
      %ne3A_116 = arith.cmpi ne, %select_n3A_83, %ne3A_115 : vector<16xi32>
      %and3A_117 = arith.andi %gt3A_113, %ne3A_116 : vector<16xi1>
      %select_n3A_118 = arith.select %and3A_117, %get3A_32, %select_n3A_109 : vector<16xi1>, vector<16xf32>
      %broadcast_in_dim3A_119 = arith.constant 3 : i32
      %broadcast_in_dim3A_120 = vector.broadcast %broadcast_in_dim3A_119 : i32 to vector<16xi32>
      %select_n3A_121 = arith.select %and3A_117, %broadcast_in_dim3A_120, %select_n3A_112 : vector<16xi1>, vector<16xi32>
      %gt3A_122 = arith.cmpf ogt, %get3A_36, %select_n3A_118 : vector<16xf32>
      %ne3A_123 = arith.constant 4 : i32
      %ne3A_124 = vector.broadcast %ne3A_123 : i32 to vector<16xi32>
      %ne3A_125 = arith.cmpi ne, %select_n3A_83, %ne3A_124 : vector<16xi32>
      %and3A_126 = arith.andi %gt3A_122, %ne3A_125 : vector<16xi1>
      %select_n3A_127 = arith.select %and3A_126, %get3A_36, %select_n3A_118 : vector<16xi1>, vector<16xf32>
      %broadcast_in_dim3A_128 = arith.constant 4 : i32
      %broadcast_in_dim3A_129 = vector.broadcast %broadcast_in_dim3A_128 : i32 to vector<16xi32>
      %select_n3A_130 = arith.select %and3A_126, %broadcast_in_dim3A_129, %select_n3A_121 : vector<16xi1>, vector<16xi32>
      %gt3A_131 = arith.cmpf ogt, %get3A_40, %select_n3A_127 : vector<16xf32>
      %ne3A_132 = arith.constant 5 : i32
      %ne3A_133 = vector.broadcast %ne3A_132 : i32 to vector<16xi32>
      %ne3A_134 = arith.cmpi ne, %select_n3A_83, %ne3A_133 : vector<16xi32>
      %and3A_135 = arith.andi %gt3A_131, %ne3A_134 : vector<16xi1>
      %select_n3A_136 = arith.select %and3A_135, %get3A_40, %select_n3A_127 : vector<16xi1>, vector<16xf32>
      %broadcast_in_dim3A_137 = arith.constant 5 : i32
      %broadcast_in_dim3A_138 = vector.broadcast %broadcast_in_dim3A_137 : i32 to vector<16xi32>
      %select_n3A_139 = arith.select %and3A_135, %broadcast_in_dim3A_138, %select_n3A_130 : vector<16xi1>, vector<16xi32>
      %gt3A_140 = arith.cmpf ogt, %get3A_44, %select_n3A_136 : vector<16xf32>
      %ne3A_141 = arith.constant 6 : i32
      %ne3A_142 = vector.broadcast %ne3A_141 : i32 to vector<16xi32>
      %ne3A_143 = arith.cmpi ne, %select_n3A_83, %ne3A_142 : vector<16xi32>
      %and3A_144 = arith.andi %gt3A_140, %ne3A_143 : vector<16xi1>
      %select_n3A_145 = arith.select %and3A_144, %get3A_44, %select_n3A_136 : vector<16xi1>, vector<16xf32>
      %broadcast_in_dim3A_146 = arith.constant 6 : i32
      %broadcast_in_dim3A_147 = vector.broadcast %broadcast_in_dim3A_146 : i32 to vector<16xi32>
      %select_n3A_148 = arith.select %and3A_144, %broadcast_in_dim3A_147, %select_n3A_139 : vector<16xi1>, vector<16xi32>
      %gt3A_149 = arith.cmpf ogt, %get3A_48, %select_n3A_145 : vector<16xf32>
      %ne3A_150 = arith.constant 7 : i32
      %ne3A_151 = vector.broadcast %ne3A_150 : i32 to vector<16xi32>
      %ne3A_152 = arith.cmpi ne, %select_n3A_83, %ne3A_151 : vector<16xi32>
      %and3A_153 = arith.andi %gt3A_149, %ne3A_152 : vector<16xi1>
      %select_n3A_154 = arith.select %and3A_153, %get3A_48, %select_n3A_145 : vector<16xi1>, vector<16xf32>
      %broadcast_in_dim3A_155 = arith.constant 7 : i32
      %broadcast_in_dim3A_156 = vector.broadcast %broadcast_in_dim3A_155 : i32 to vector<16xi32>
      %select_n3A_157 = arith.select %and3A_153, %broadcast_in_dim3A_156, %select_n3A_148 : vector<16xi1>, vector<16xi32>
      %sub3A = arith.subf %select_n3A_154, %select_n3A_80 : vector<16xf32>
      %exp3A = math.exp %sub3A : vector<16xf32>
      %add3A_158 = arith.constant 1.000000e+00 : f32
      %add3A_159 = vector.broadcast %add3A_158 : f32 to vector<16xf32>
      %add3A_160 = arith.addf %add3A_159, %exp3A : vector<16xf32>
      %div3A = arith.constant 1.000000e+00 : f32
      %div3A_161 = vector.broadcast %div3A : f32 to vector<16xf32>
      %div3A_162 = arith.divf %div3A_161, %add3A_160 : vector<16xf32>
      %div3A_163 = arith.divf %exp3A, %add3A_160 : vector<16xf32>
      %add3A_164 = vector.broadcast %mul3A_17 : i32 to vector<16xi32>
      %add3A_165 = arith.addi %add3A_164, %iota3A : vector<16xi32>
      %broadcast_in_dim3A_166 = arith.constant 0.000000e+00 : f32
      %broadcast_in_dim3A_167 = vector.broadcast %broadcast_in_dim3A_166 : f32 to vector<16xf32>
      %mul3A_168 = arith.constant 8 : i32
      %mul3A_169 = arith.muli %mul3A_17, %mul3A_168 : i32
      %add3A_170 = arith.constant 0 : i32
      %add3A_171 = arith.addi %mul3A_169, %add3A_170 : i32
      %swap3A = arith.index_cast %add3A_171 : i32 to index
      %swap3A_172 = tpu.vector_load %arg7[%swap3A] {strides = array<i32>} : memref<8192xf32, #tpu.memory_space<vmem>>, vector<16xf32>,
      tpu.vector_store %arg7[%swap3A], %broadcast_in_dim3A_167 {strides = array<i32>} : memref<8192xf32, #tpu.memory_space<vmem>>, vector<16xf32>,
      %mul3A_173 = arith.constant 8 : i32
      %mul3A_174 = arith.muli %mul3A_17, %mul3A_173 : i32
      %add3A_175 = arith.constant 16 : i32
      %add3A_176 = arith.addi %mul3A_174, %add3A_175 : i32
      %swap3A_177 = arith.index_cast %add3A_176 : i32 to index
      %swap3A_178 = tpu.vector_load %arg7[%swap3A_177] {strides = array<i32>} : memref<8192xf32, #tpu.memory_space<vmem>>, vector<16xf32>,
      tpu.vector_store %arg7[%swap3A_177], %broadcast_in_dim3A_167 {strides = array<i32>} : memref<8192xf32, #tpu.memory_space<vmem>>, vector<16xf32>,
      %mul3A_179 = arith.constant 8 : i32
      %mul3A_180 = arith.muli %mul3A_17, %mul3A_179 : i32
      %add3A_181 = arith.constant 32 : i32
      %add3A_182 = arith.addi %mul3A_180, %add3A_181 : i32
      %swap3A_183 = arith.index_cast %add3A_182 : i32 to index
      %swap3A_184 = tpu.vector_load %arg7[%swap3A_183] {strides = array<i32>} : memref<8192xf32, #tpu.memory_space<vmem>>, vector<16xf32>,
      tpu.vector_store %arg7[%swap3A_183], %broadcast_in_dim3A_167 {strides = array<i32>} : memref<8192xf32, #tpu.memory_space<vmem>>, vector<16xf32>,
      %mul3A_185 = arith.constant 8 : i32
      %mul3A_186 = arith.muli %mul3A_17, %mul3A_185 : i32
      %add3A_187 = arith.constant 48 : i32
      %add3A_188 = arith.addi %mul3A_186, %add3A_187 : i32
      %swap3A_189 = arith.index_cast %add3A_188 : i32 to index
      %swap3A_190 = tpu.vector_load %arg7[%swap3A_189] {strides = array<i32>} : memref<8192xf32, #tpu.memory_space<vmem>>, vector<16xf32>,
      tpu.vector_store %arg7[%swap3A_189], %broadcast_in_dim3A_167 {strides = array<i32>} : memref<8192xf32, #tpu.memory_space<vmem>>, vector<16xf32>,
      %mul3A_191 = arith.constant 8 : i32
      %mul3A_192 = arith.muli %mul3A_17, %mul3A_191 : i32
      %add3A_193 = arith.constant 64 : i32
      %add3A_194 = arith.addi %mul3A_192, %add3A_193 : i32
      %swap3A_195 = arith.index_cast %add3A_194 : i32 to index
      %swap3A_196 = tpu.vector_load %arg7[%swap3A_195] {strides = array<i32>} : memref<8192xf32, #tpu.memory_space<vmem>>, vector<16xf32>,
      tpu.vector_store %arg7[%swap3A_195], %broadcast_in_dim3A_167 {strides = array<i32>} : memref<8192xf32, #tpu.memory_space<vmem>>, vector<16xf32>,
      %mul3A_197 = arith.constant 8 : i32
      %mul3A_198 = arith.muli %mul3A_17, %mul3A_197 : i32
      %add3A_199 = arith.constant 80 : i32
      %add3A_200 = arith.addi %mul3A_198, %add3A_199 : i32
      %swap3A_201 = arith.index_cast %add3A_200 : i32 to index
      %swap3A_202 = tpu.vector_load %arg7[%swap3A_201] {strides = array<i32>} : memref<8192xf32, #tpu.memory_space<vmem>>, vector<16xf32>,
      tpu.vector_store %arg7[%swap3A_201], %broadcast_in_dim3A_167 {strides = array<i32>} : memref<8192xf32, #tpu.memory_space<vmem>>, vector<16xf32>,
      %mul3A_203 = arith.constant 8 : i32
      %mul3A_204 = arith.muli %mul3A_17, %mul3A_203 : i32
      %add3A_205 = arith.constant 96 : i32
      %add3A_206 = arith.addi %mul3A_204, %add3A_205 : i32
      %swap3A_207 = arith.index_cast %add3A_206 : i32 to index
      %swap3A_208 = tpu.vector_load %arg7[%swap3A_207] {strides = array<i32>} : memref<8192xf32, #tpu.memory_space<vmem>>, vector<16xf32>,
      tpu.vector_store %arg7[%swap3A_207], %broadcast_in_dim3A_167 {strides = array<i32>} : memref<8192xf32, #tpu.memory_space<vmem>>, vector<16xf32>,
      %mul3A_209 = arith.constant 8 : i32
      %mul3A_210 = arith.muli %mul3A_17, %mul3A_209 : i32
      %add3A_211 = arith.constant 112 : i32
      %add3A_212 = arith.addi %mul3A_210, %add3A_211 : i32
      %swap3A_213 = arith.index_cast %add3A_212 : i32 to index
      %swap3A_214 = tpu.vector_load %arg7[%swap3A_213] {strides = array<i32>} : memref<8192xf32, #tpu.memory_space<vmem>>, vector<16xf32>,
      tpu.vector_store %arg7[%swap3A_213], %broadcast_in_dim3A_167 {strides = array<i32>} : memref<8192xf32, #tpu.memory_space<vmem>>, vector<16xf32>,
      %mul3A_215 = arith.constant 8 : i32
      %mul3A_216 = vector.broadcast %mul3A_215 : i32 to vector<16xi32>
      %mul3A_217 = arith.muli %add3A_165, %mul3A_216 : vector<16xi32>
      %add3A_218 = arith.addi %mul3A_217, %select_n3A_83 : vector<16xi32>
      tpu.vector_store_idx %arg7[%add3A_218], %broadcast_in_dim3A_3 : memref<8192xf32, #tpu.memory_space<vmem>>[vector<16xi32>], vector<16xf32>,
      %mul3A_219 = arith.constant 8 : i32
      %mul3A_220 = vector.broadcast %mul3A_219 : i32 to vector<16xi32>
      %mul3A_221 = arith.muli %add3A_165, %mul3A_220 : vector<16xi32>
      %add3A_222 = arith.addi %mul3A_221, %select_n3A_157 : vector<16xi32>
      tpu.vector_store_idx %arg7[%add3A_222], %broadcast_in_dim3A_3 : memref<8192xf32, #tpu.memory_space<vmem>>[vector<16xi32>], vector<16xf32>,
      %mul3A_223 = arith.constant 2 : i32
      %mul3A_224 = vector.broadcast %mul3A_223 : i32 to vector<16xi32>
      %mul3A_225 = arith.muli %add3A_165, %mul3A_224 : vector<16xi32>
      tpu.vector_store_idx %arg8[%mul3A_225], %div3A_162 : memref<2048xf32, #tpu.memory_space<vmem>>[vector<16xi32>], vector<16xf32>,
      %mul3A_226 = arith.constant 2 : i32
      %mul3A_227 = vector.broadcast %mul3A_226 : i32 to vector<16xi32>
      %mul3A_228 = arith.muli %add3A_165, %mul3A_227 : vector<16xi32>
      %add3A_229 = arith.constant 1 : i32
      %add3A_230 = vector.broadcast %add3A_229 : i32 to vector<16xi32>
      %add3A_231 = arith.addi %mul3A_228, %add3A_230 : vector<16xi32>
      tpu.vector_store_idx %arg8[%add3A_231], %div3A_163 : memref<2048xf32, #tpu.memory_space<vmem>>[vector<16xi32>], vector<16xf32>,
      %mul3A_232 = arith.constant 2 : i32
      %mul3A_233 = vector.broadcast %mul3A_232 : i32 to vector<16xi32>
      %mul3A_234 = arith.muli %add3A_165, %mul3A_233 : vector<16xi32>
      tpu.vector_store_idx %arg9[%mul3A_234], %select_n3A_83 : memref<2048xi32, #tpu.memory_space<vmem>>[vector<16xi32>], vector<16xi32>,
      %mul3A_235 = arith.constant 2 : i32
      %mul3A_236 = vector.broadcast %mul3A_235 : i32 to vector<16xi32>
      %mul3A_237 = arith.muli %add3A_165, %mul3A_236 : vector<16xi32>
      %add3A_238 = arith.constant 1 : i32
      %add3A_239 = vector.broadcast %add3A_238 : i32 to vector<16xi32>
      %add3A_240 = arith.addi %mul3A_237, %add3A_239 : vector<16xi32>
      tpu.vector_store_idx %arg9[%add3A_240], %select_n3A_157 : memref<2048xi32, #tpu.memory_space<vmem>>[vector<16xi32>], vector<16xi32>,
    }
    %scan3A_8 = arith.constant 64 : i32
    %mul3A_9 = arith.constant 8 : i32
    %mul3A_10 = arith.muli %mul3A_2, %mul3A_9 : i32
    "tpu.region"() ({
      %run_scoped3A = tpu.sem_alloc : memref<!tpu.dma_semaphore, #tpu.memory_space<semaphore_mem>>
      %dma_start3A = tpu.memref_slice %arg3[%mul3A_10] : memref<262144xf32, #tpu.memory_space<hbm>> -> memref<8192xf32, #tpu.memory_space<hbm>>
      %dma_start3A_15 = tpu.memref_slice %arg3[%mul3A_10] : memref<262144xf32, #tpu.memory_space<hbm>> -> memref<8192xf32, #tpu.memory_space<hbm>>
      tpu.enqueue_dma source(%arg7 : memref<8192xf32, #tpu.memory_space<vmem>>) target(%dma_start3A_15 : memref<8192xf32, #tpu.memory_space<hbm>>) target_semaphore(%run_scoped3A : memref<!tpu.dma_semaphore, #tpu.memory_space<semaphore_mem>>)
      %dma_wait3A = tpu.memref_slice %arg3[%mul3A_10] : memref<262144xf32, #tpu.memory_space<hbm>> -> memref<8192xf32, #tpu.memory_space<hbm>>
      %dma_wait3A_16 = tpu.memref_slice %arg3[%mul3A_10] : memref<262144xf32, #tpu.memory_space<hbm>> -> memref<8192xf32, #tpu.memory_space<hbm>>
      tpu.wait_dma2 semaphore(%run_scoped3A : memref<!tpu.dma_semaphore, #tpu.memory_space<semaphore_mem>>) src(%arg7 : memref<8192xf32, #tpu.memory_space<vmem>>) dst(%dma_wait3A_16 : memref<8192xf32, #tpu.memory_space<hbm>>)
      tpu.yield
    }) : () -> ()
    %mul3A_11 = arith.constant 2 : i32
    %mul3A_12 = arith.muli %mul3A_2, %mul3A_11 : i32
    "tpu.region"() ({
      %run_scoped3A = tpu.sem_alloc : memref<!tpu.dma_semaphore, #tpu.memory_space<semaphore_mem>>
      %dma_start3A = tpu.memref_slice %arg4[%mul3A_12] : memref<65536xf32, #tpu.memory_space<hbm>> -> memref<2048xf32, #tpu.memory_space<hbm>>
      %dma_start3A_15 = tpu.memref_slice %arg4[%mul3A_12] : memref<65536xf32, #tpu.memory_space<hbm>> -> memref<2048xf32, #tpu.memory_space<hbm>>
      tpu.enqueue_dma source(%arg8 : memref<2048xf32, #tpu.memory_space<vmem>>) target(%dma_start3A_15 : memref<2048xf32, #tpu.memory_space<hbm>>) target_semaphore(%run_scoped3A : memref<!tpu.dma_semaphore, #tpu.memory_space<semaphore_mem>>)
      %dma_wait3A = tpu.memref_slice %arg4[%mul3A_12] : memref<65536xf32, #tpu.memory_space<hbm>> -> memref<2048xf32, #tpu.memory_space<hbm>>
      %dma_wait3A_16 = tpu.memref_slice %arg4[%mul3A_12] : memref<65536xf32, #tpu.memory_space<hbm>> -> memref<2048xf32, #tpu.memory_space<hbm>>
      tpu.wait_dma2 semaphore(%run_scoped3A : memref<!tpu.dma_semaphore, #tpu.memory_space<semaphore_mem>>) src(%arg8 : memref<2048xf32, #tpu.memory_space<vmem>>) dst(%dma_wait3A_16 : memref<2048xf32, #tpu.memory_space<hbm>>)
      tpu.yield
    }) : () -> ()
    %mul3A_13 = arith.constant 2 : i32
    %mul3A_14 = arith.muli %mul3A_2, %mul3A_13 : i32
    "tpu.region"() ({
      %run_scoped3A = tpu.sem_alloc : memref<!tpu.dma_semaphore, #tpu.memory_space<semaphore_mem>>
      %dma_start3A = tpu.memref_slice %arg5[%mul3A_14] : memref<65536xi32, #tpu.memory_space<hbm>> -> memref<2048xi32, #tpu.memory_space<hbm>>
      %dma_start3A_15 = tpu.memref_slice %arg5[%mul3A_14] : memref<65536xi32, #tpu.memory_space<hbm>> -> memref<2048xi32, #tpu.memory_space<hbm>>
      tpu.enqueue_dma source(%arg9 : memref<2048xi32, #tpu.memory_space<vmem>>) target(%dma_start3A_15 : memref<2048xi32, #tpu.memory_space<hbm>>) target_semaphore(%run_scoped3A : memref<!tpu.dma_semaphore, #tpu.memory_space<semaphore_mem>>)
      %dma_wait3A = tpu.memref_slice %arg5[%mul3A_14] : memref<65536xi32, #tpu.memory_space<hbm>> -> memref<2048xi32, #tpu.memory_space<hbm>>
      %dma_wait3A_16 = tpu.memref_slice %arg5[%mul3A_14] : memref<65536xi32, #tpu.memory_space<hbm>> -> memref<2048xi32, #tpu.memory_space<hbm>>
      tpu.wait_dma2 semaphore(%run_scoped3A : memref<!tpu.dma_semaphore, #tpu.memory_space<semaphore_mem>>) src(%arg9 : memref<2048xi32, #tpu.memory_space<vmem>>) dst(%dma_wait3A_16 : memref<2048xi32, #tpu.memory_space<hbm>>)
      tpu.yield
    }) : () -> ()
    return
  }
}

module attributes {stable_mosaic.version = 14 : i64} {
  func.func @_logits_body(%arg0: i32, %arg1: memref<8x768xf32, #tpu.memory_space<vmem>>, %arg2: memref<4096x768xf32, #tpu.memory_space<vmem>>, %arg3: memref<8x4096xf32, #tpu.memory_space<vmem>>) attributes {dimension_semantics = [#tpu.dimension_semantics<parallel>], iteration_bounds = array<i64: 8>, scalar_prefetch = 0 : i64, scratch_operands = 0 : i64, tpu.core_type = #tpu.core_type<tc>, window_params = [{pipeline_mode = #tpu.pipeline_mode<synchronous>, transform_indices = @transform_0, window_bounds = array<i64: 8, 768>}, {transform_indices = @transform_1, window_bounds = array<i64: 4096, 768>}, {transform_indices = @transform_2, window_bounds = array<i64: 8, 4096>}]} {
    %get3A = arith.constant 0 : index
    %get3A_0 = arith.constant 0 : index
    %get3A_1 = vector.load %arg1[%get3A, %get3A_0] : memref<8x768xf32, #tpu.memory_space<vmem>>, vector<8x768xf32>
    %get3A_2 = arith.constant 0 : index
    %get3A_3 = arith.constant 0 : index
    %get3A_4 = vector.load %arg2[%get3A_2, %get3A_3] : memref<4096x768xf32, #tpu.memory_space<vmem>>, vector<4096x768xf32>
    %dot_general3A = arith.constant dense<0.000000e+00> : vector<8x4096xf32>
    %dot_general3A_5 = tpu.matmul %get3A_1, %get3A_4, %dot_general3A {dimension_numbers = #tpu.dot_dimension_numbers<[1], [1], [0], [0], [0, 0, 1, 0], [], []>, transpose_lhs_hint = false} : vector<8x768xf32>, vector<4096x768xf32>, vector<8x4096xf32> -> vector<8x4096xf32>
    %swap3A = arith.constant 0 : index
    %swap3A_6 = arith.constant 0 : index
    %swap3A_7 = vector.load %arg3[%swap3A, %swap3A_6] : memref<8x4096xf32, #tpu.memory_space<vmem>>, vector<8x4096xf32>
    tpu.vector_store %arg3[%swap3A, %swap3A_6], %dot_general3A_5 {strides = array<i32>} : memref<8x4096xf32, #tpu.memory_space<vmem>>, vector<8x4096xf32>,
    return
  }
  func.func @transform_0(%arg0: i32) -> (i32, i32) {
    %c0_i32 = arith.constant 0 : i32
    %c0_i32_0 = arith.constant 0 : i32
    %c0_i32_1 = arith.constant 0 : i32
    return %c0_i32, %c0_i32_0 : i32, i32
  }
  func.func @transform_1(%arg0: i32) -> (i32, i32) {
    %c0_i32 = arith.constant 0 : i32
    %c0_i32_0 = arith.constant 0 : i32
    return %arg0, %c0_i32 : i32, i32
  }
  func.func @transform_2(%arg0: i32) -> (i32, i32) {
    %c0_i32 = arith.constant 0 : i32
    %c0_i32_0 = arith.constant 0 : i32
    return %c0_i32, %arg0 : i32, i32
  }
}

</mosaic_0001>

<sc_bundles>
// kernel: kernel.4.cloned.1.call-start
scs
__scs_entry_jumppad:
0x0: {  	(pc) =	sbr.rel $0x88, $3  }
0x1: {  	(tag) =	ssettag $0x0;
	lr =	simm.s32 $0x1  }
0x2: {  	[smem:$0x3F9F] =	sst lr;
	_ =	strace $0xD0000000  }
0x3: {  	_ = 	snop  }
0x4: {  	_ = 	snop  }
0x5: {  	_ = 	snop  }
0x6: {  	_ = 	snop  }
0x7: {  	_ = 	snop  }
__scs_overlays_trampoline_lowered:
0x8: {  	[smem:$0x3FAE] =	sst s0  }
0x9: {  	[smem:$0x3FAF] =	sst s1  }
0xa: {  	[smem:$0x3FB0] =	sst s2  }
0xb: {  	[smem:$0x3FB1] =	sst s3  }
0xc: {  	[smem:$0x3FB2] =	sst s4  }
0xd: {  	[smem:$0x3FB3] =	sst s5  }
0xe: {  	[smem:$0x3FB4] =	sst s6  }
0xf: {  	[smem:$0x3FB5] =	sst s7  }
0x10: {  	[smem:$0x3FB6] =	sst s8  }
0x11: {  	[smem:$0x3FB7] =	sst s9;
	s0 =	simm.s32 @!p0 $0x0  }
0x12: {  	s1 =	sld [smem:$0x3F9D];
	s0 =	simm.s32 @p0 $0x1  }
0x13: {  	[smem:$0x3FB8] =	sst s0;
	s0 =	simm.s32 @!p1 $0x0  }
0x14: {  	s2 =	sld [smem:$0x3F9C];
	s0 =	simm.s32 @p1 $0x1  }
0x15: {  	[smem:$0x3FB9] =	sst s0;
	s0 =	simm.s32 @!p2 $0x0  }
0x16: {  	s3 =	sld [smem:$0x3FDB];
	s0 =	simm.s32 @p2 $0x1  }
0x17: {  	s4 =	simm.s32 $0x1BF5;
	[smem:$0x3FBB] =	sst s0  }
0x18: {  	s0 =	sld [smem:$0x3F9E];
	_ =	swait.ge [sflag:s4], $0x0  }
0x19: {  	s7 =	sld [smem:$0x3F9F]  }
0x1a: {  	s8 =	sadd.s32 $0xFFFFE003, lr  }
0x1b: {  	s9 =	sadd.s32 $0xFFFFFEF7, lr;
	s5 =	simm.s32 $0xFFFFFFFF;
	p2 =	slt.u32 s8, $0xFFFFF086  }
0x1c: {  	p1 =	slt.u32 s9, $0xF7A;
	s5 =	simm.s32 @!p2 $0x0  }
0x1d: {  	s5 =	simm.s32 @p1 $0x1;
	p0 =	seq.s32 s7, s2  }
0x1e: {  	s7 =	smul.u32 @!p0 $0xF7A, s2;
	p2 =	seq.s32 @!p0 s5, $0x0  }
0x1f: {  	s9 =	smul.u32 $0xF7A, s1;
	s8 =	simm.s32 @!p0 $0x1BF5;
	p2 =	por !p2, p0  }
0x20: {  	[sflag:s8] =	ssyncset.s32 @!p0 $0xFFFFF086;
	s6 =	sadd.s32 @!p0 s3, s7;
	s7 =	simm.s32 @!p0 $0x108  }
0x21: {  	s3 =	sadd.s32 s3, s9;
	s6 =	sadd.s32 @!p0 $0x88, s6;
	s7 =	simm.s32 @p2 $0x1082  }
0x22: {  	[simem:s7], [sflag:s8] =	dma.local @!p0 [hbm:s6], $0xF7A  }
0x23: {  	s9 =	sor.u32 $0xD0000000, s2;
	s6 =	simm.s32 $0x108;
	_ =	swait.ge @!p0 [sflag:s8], $0x0  }
0x24: {  	s3 =	sadd.s32 $0x88, s3;
	s6 =	simm.s32 @!p1 $0x1082;
	[sflag:s4] =	ssyncset.s32 $0xFFFFF086  }
0x25: {  	[simem:s6], [sflag:s4] =	dma.local [hbm:s3], $0xF7A  }
0x26: {  	[smem:$0x3F9F] =	sst s1;
	(tag) =	ssettag s2;
	_ =	strace s9  }
0x27: {  	s1 =	sld [smem:$0x3FAF]  }
0x28: {  	s2 =	sld [smem:$0x3FB0]  }
0x29: {  	s4 =	sld [smem:$0x3FB2]  }
0x2a: {  	p0 =	seq.s32 s5, $0x0;
	s5 =	sld [smem:$0x3FB3]  }
0x2b: {  	s6 =	sld [smem:$0x3FB4]  }
0x2c: {  	s7 =	sld [smem:$0x3FB5]  }
0x2d: {  	s3 =	simm.s32 $0x108;
	s8 =	sld [smem:$0x3FB6]  }
0x2e: {  	s3 =	simm.s32 @!p0 $0x1082;
	s9 =	sld [smem:$0x3FB7]  }
0x2f: {  	lr =	sadd.s32 s0, s3;
	s0 =	sld [smem:$0x3FAE]  }
0x30: {  	s3 =	sld [smem:$0x3FB1]  }
0x31: {  	[smem:$0x3FBA] =	sst s10  }
0x32: {  	s10 =	sld [smem:$0x3FB8];
	_ =	sdelay $0x3  }
0x33: {  	p0 =	seq.s32 s10, $0x1;
	s10 =	sld [smem:$0x3FBA];
	_ =	sdelay $0x3  }
0x34: {  	[smem:$0x3FBA] =	sst s10  }
0x35: {  	s10 =	sld [smem:$0x3FB9];
	_ =	sdelay $0x3  }
0x36: {  	p1 =	seq.s32 s10, $0x1;
	s10 =	sld [smem:$0x3FBA];
	_ =	sdelay $0x3  }
0x37: {  	[smem:$0x3FBA] =	sst s10  }
0x38: {  	s10 =	sld [smem:$0x3FBB]  }
0x39: {  	_ = 	snop;
	(pc) =	sbr.ind lr, $3  }
0x3a: {  	_ = 	snop  }
0x3b: {  	_ = 	snop  }
0x3c: {  	p2 =	seq.s32 s10, $0x1;
	s10 =	sld [smem:$0x3FBA]  }
0x3d: {  	_ =	shalt  }
0x3e: {  	_ =	shalt  }
0x3f: {  	_ =	shalt  }
0x40: {  	_ =	shalt  }
0x41: {  	_ =	shalt  }
0x42: {  	_ =	shalt  }
0x43: {  	_ =	shalt  }
0x44: {  	_ =	shalt  }
0x45: {  	_ =	shalt  }
0x46: {  	_ =	shalt  }
0x47: {  	_ =	shalt  }
0x48: {  	_ =	shalt  }
0x49: {  	_ =	shalt  }
0x4a: {  	_ =	shalt  }
0x4b: {  	_ =	shalt  }
0x4c: {  	_ =	shalt  }
0x4d: {  	_ =	shalt  }
0x4e: {  	_ =	shalt  }
0x4f: {  	_ =	shalt  }
0x50: {  	_ =	shalt  }
0x51: {  	_ =	shalt  }
0x52: {  	_ =	shalt  }
0x53: {  	_ =	shalt  }
0x54: {  	_ =	shalt  }
0x55: {  	_ =	shalt  }
0x56: {  	_ =	shalt  }
0x57: {  	_ =	shalt  }
0x58: {  	_ =	shalt  }
0x59: {  	_ =	shalt  }
0x5a: {  	_ =	shalt  }
0x5b: {  	_ =	shalt  }
0x5c: {  	_ =	shalt  }
0x5d: {  	_ =	shalt  }
0x5e: {  	_ =	shalt  }
0x5f: {  	_ =	shalt  }
0x60: {  	_ =	shalt  }
0x61: {  	_ =	shalt  }
0x62: {  	_ =	shalt  }
0x63: {  	_ =	shalt  }
0x64: {  	_ =	shalt  }
0x65: {  	_ =	shalt  }
0x66: {  	_ =	shalt  }
0x67: {  	_ =	shalt  }
0x68: {  	_ =	shalt  }
0x69: {  	_ =	shalt  }
0x6a: {  	_ =	shalt  }
0x6b: {  	_ =	shalt  }
0x6c: {  	_ =	shalt  }
0x6d: {  	_ =	shalt  }
0x6e: {  	_ =	shalt  }
0x6f: {  	_ =	shalt  }
0x70: {  	_ =	shalt  }
0x71: {  	_ =	shalt  }
0x72: {  	_ =	shalt  }
0x73: {  	_ =	shalt  }
0x74: {  	_ =	shalt  }
0x75: {  	_ =	shalt  }
0x76: {  	_ =	shalt  }
0x77: {  	_ =	shalt  }
0x78: {  	_ =	shalt  }
0x79: {  	_ =	shalt  }
0x7a: {  	_ =	shalt  }
0x7b: {  	_ =	shalt  }
0x7c: {  	_ =	shalt  }
0x7d: {  	_ =	shalt  }
0x7e: {  	_ =	shalt  }
0x7f: {  	_ =	shalt  }
0x80: {  	_ =	shalt  }
0x81: {  	_ =	shalt  }
0x82: {  	_ =	shalt  }
0x83: {  	_ =	shalt  }
0x84: {  	_ =	shalt  }
0x85: {  	_ =	shalt  }
0x86: {  	_ =	shalt  }
0x87: {  	_ =	shalt  }
.Lfunc_end0:
.L_simem_size_0:
called_computation_lowered:
.L_overlay_start_0:
0x88: {  	s2 =	sld [smem:$0x3FD9]  }
0x89: {  	s3 =	sld [smem:$0x3FFE];
	_ =	sdelay $0x1  }
0x8a: {  	s1 =	srdreg.scid  }
0x8b: {  	s0 =	sand.u32 $0x1, s1  }
0x8c: {  	s14 =	sshll.u32 s0, $0xA;
	s2 =	sadd.s32 s3, s2  }
0x8d: {  	s2 =	sadd.s32 s2, s14  }
0x8e: {  	[smem:$0x3FC6] =	sst s2  }
0x8f: {  	_ = 	snop  }
0x90: {  	s2 =	sld [smem:$0x3FD0];
	_ =	sdelay $0x2  }
0x91: {  	s15 =	simm.s32 $0xA;
	s4 =	simm.s32 $0x10  }
0x92: {  	[smem:s4], [sflag:s15] =	dma.local [hbm:s2], $0x1  }
0x93: {  	_ =	swait.eq [sflag:s15], $0x1  }
0x94: {  	[sflag:s15] =	ssyncset.done $0x0  }
0x95: {  	s16 =	sld [smem:$0x10];
	[sflag:s15] =	ssyncadd.s32 $0xFFFFFFFF  }
0x96: {  	s17 =	sld [smem:$0x12];
	(tm) =	ssettm $0x1  }
0x97: {  	s18 =	sld [smem:$0x3FFB];
	_ =	sdelay $0x3  }
0x98: {  	_ =	strace s18  }
0x99: {  	s4 =	sld [smem:$0x3FFC];
	_ =	sdelay $0x3  }
0x9a: {  	_ =	strace s4  }
0x9b: {  	s4 =	sld [smem:$0x3FFD];
	_ =	sdelay $0x3  }
0x9c: {  	_ =	strace s4  }
0x9d: {  	_ =	strace $0x8FFFFFFF  }
0x9e: {  	s19 =	sld [smem:$0x3FDB];
	_ =	sdelay $0x1  }
0x9f: {  	s5 =	simm.s32 $_scs_section_size  }
0xa0: {  	s6 =	simm.s32 $_size__tile_overlayer_lowered;
	s7 =	simm.s32 $_tile_overlayer_lowered  }
0xa1: {  	s22 =	simm.s32 $0x1BFF;
	s21 =	sshll.u32 s7, $0x1;
	s4 =	sadd.s32 s5, s19  }
0xa2: {  	s8 =	simm.s32 $0x0;
	s20 =	sshll.u32 s6, $0x1;
	s6 =	sadd.s32 s21, s4  }
0xa3: {  	[timem:s8], [sflag:s22] =	dma.local [hbm:s6], s20  }
0xa4: {  	_ =	swait.ge [sflag:s22], s20  }
0xa5: {  	s5 =	ssub.s32 $0x0, s20;
	[sflag:s22] =	ssyncset.done $0x0  }
0xa6: {  	[sflag:s22] =	ssyncadd.s32 s5;
	_ =	sdelay $0x1  }
0xa7: {  	s23 =	simm.s32 $0x1B8B  }
0xa8: {  	_ =	swait.ge [sflag:s23], $0x1  }
0xa9: {  	[sflag:s23] =	ssyncset.done $0x0  }
0xaa: {  	s25 =	simm.s32 $0x1B8E;
	s24 =	sld [smem:$0x3FFE];
	[sflag:s23] =	ssyncadd.s32 $0xFFFFFFFF  }
0xab: {  	s26 =	simm.s32 $execute0_lowered;
	[smem:$0x3FD2] =	sst s25  }
0xac: {  	s6 =	sshll.u32 s26, $0x1;
	_ =	strace $0x80000046;
	[dreg:$0x1] =	wrdreg $0xFFFFFFFF  }
0xad: {  	s28 =	simm.s32 $_size_execute0_lowered;
	s4 =	sadd.s32 s4, s6;
	[dreg:$0x0] =	wrdreg $0x0  }
0xae: {  	s6 =	sshll.u32 s28, $0x1;
	[dreg:$0x2] =	wrdreg s4  }
0xaf: {  	[dreg:$0x3] =	wrdreg s6  }
0xb0: {  	[dreg:$0x4] =	wrdreg $0xC0  }
0xb1: {  	_ =	task [dreg:s8], $0x5FFFF  }
0xb2: {  	[dreg:$0x1] =	wrdreg $0xFFFFFFFF  }
0xb3: {  	[dreg:$0x0] =	wrdreg $0x60  }
0xb4: {  	[dreg:$0x2] =	wrdreg s16  }
0xb5: {  	[dreg:$0x3] =	wrdreg s24  }
0xb6: {  	[dreg:$0x4] =	wrdreg s17  }
0xb7: {  	[dreg:$0x5] =	wrdreg $0x9  }
0xb8: {  	_ =	task.clear_ibuf [dreg:s8], $0x6FFFF;
	_ =	strace $0x90000046  }
0xb9: {  	s29 =	simm.s32 $0x9;
	_ =	strace $0x80000048  }
0xba: {  	_ =	swait.ge [sflag:s29], $0x1  }
0xbb: {  	[sflag:s29] =	ssyncadd.s32 $0xFFFFFFFF  }
0xbc: {  	_ =	strace $0x90000048  }
0xbd: {  	_ =	sfence  }
0xbe: {  	s30 =	sld [smem:$0x0];
	_ =	sdelay $0x2  }
0xbf: {  	s31 =	sshll.u32 s1, $0xD;
	s1 =	sshrl.u32 s1, $0x2  }
0xc0: {  	s3 =	sand.u32 $0x4000, s31;
	s1 =	sadd.s32 s1, s30  }
0xc1: {  	s0 =	sor.u32 s3, s0;
	s1 =	sshll.u32 s1, $0x11  }
0xc2: {  	s0 =	sor.u32 s1, s0  }
0xc3: {  	s0 =	sadd.s32 $0x8F2B, s0  }
0xc4: {  	[sflag:s0] =	ssyncadd.remote.s32 $0x1  }
0xc5: {  	_ =	sfence.sel $0xFFFF  }
0xc6: {  	[dreg:$0x0] =	wrdreg $0xFFFFFFFF;
	(pc) =	sbr.abs _section_cstart, $3  }
0xc7: {  	[dreg:$0x1] =	wrdreg $0xFFFFFFFF  }
0xc8: {  	_ =	task.clear_ibuf [dreg:s8], $0x2FFFF;
	_ =	strace $0x9FFFFFFF  }
0xc9: {  	(tm) =	ssettm $0x7FFFFFFF  }
tec
execute0_lowered:
.L_overlay_start_1:
0x0: {  	(tag) =	ssettag $0x1  }
0x1: {  	s3 =	rddreg [dreg:$0x0]  }
0x2: {  	s4 =	rddreg [dreg:$0x1]  }
0x3: {  	s5 =	rddreg [dreg:$0x2]  }
0x4: {  	s0 =	rddreg [dreg:$0x3];
	s6 =	srdreg.scid  }
0x5: {  	s1 =	stileid.u32;
	s2 =	simm.s32 $0x0;
	s12 =	simm.s32 $0x0  }
0x6: {  	s6 =	sand.u32 $0x1, s6;
	s7 =	sshll.u32 s1, $0x1;
	[smem:$0x7FF] =	sst s2  }
0x7: {  	s7 =	sor.u32 s6, s7;
	_ =	strace $0x80000047;
	s6 =	ssub.s32 $0x2, s6  }
0x8: {  	s8 =	sshll.u32 s7, $0xA;
	s7 =	sshll.u32 s7, $0x8;
	s10 =	sshrl.u32 s6, $0x1  }
0x9: {  	s9 =	sadd.s32 s8, s4;
	s11 =	sadd.s32 s7, s4;
	s10 =	ssub.s32 s6, s10  }
0xa: {  	s3 =	sadd.s32 s3, s8;
	s5 =	sadd.s32 s5, s7;
	s8 =	simm.s32 $0x1  }
0xb: {  	v0 =	vimm.s32 $0x0;
	s4 =	sadd.s32 $0x1000, s9;
	s6 =	sadd.s32 $0x9000, s11;
	s7 =	smax.u32 s10, $0x1  }
0xc: {  	v1 =	vimm.f32 $1.000000000e+00;
	v2 =	vlaneseq.u32;
	v3 =	vimm.f32 $0.0e+00;
	s9 =	simm.s32 $0x2000;
	s10 =	simm.s32 $0x4000;
	s11 =	simm.s32 $0x4800  }
.LBB2_1:
0xd: {  	[tilespmem:s2], [sflag:$0x1] =	stream.linear.gather [hbm4b:s3+s2], $0x2000, $0x38;
	[tilespmem:$0x5000] =	vst v63  }
0xe: {  	_ =	swait.ge [sflag:s8], $0x2000  }
0xf: {  	s13 =	sand.u32 $0x70, s2;
	s14 =	sand.u32 $0x1C00, s2;
	[sflag:s8] =	ssyncset.done $0x0  }
0x10: {  	s13 =	sor.u32 s13, s14;
	[sflag:s8] =	ssyncadd.s32 $0xFFFFE000  }
0x11: {  	v5 =	vld [tilespmem:s13+$0x0]  }
0x12: {  	v6 =	vld [tilespmem:s13+$0x80];
	_ =	sdelay $0x1  }
0x13: {  	v7 =	vld [tilespmem:s13+$0x100];
	_ =	sdelay $0x1  }
0x14: {  	v8 =	vld [tilespmem:s13+$0x180]  }
0x15: {  	vm0 =	vgt.f32 v6, v5  }
0x16: {  	v9 =	vld [tilespmem:s13+$0x200];
	v4 =	vsel vm0, v6, v5  }
0x17: {  	vm1 =	vgt.f32 v7, v4  }
0x18: {  	v10 =	vld [tilespmem:s13+$0x280];
	v4 =	vsel vm1, v7, v4  }
0x19: {  	vm2 =	vgt.f32 v8, v4  }
0x1a: {  	s30 =	sor.u32 s2, s2;
	v11 =	vld [tilespmem:s13+$0x300];
	v4 =	vsel vm2, v8, v4  }
0x1b: {  	s13 =	sor.u32 $0x380, s30;
	vm3 =	vgt.f32 v9, v4  }
0x1c: {  	v12 =	vld [tilespmem:s13+$0x0];
	v4 =	vsel vm3, v9, v4  }
0x1d: {  	v13 =	vsel vm0, $0x1, v0;
	vm13 =	vgt.f32 v10, v4  }
0x1e: {  	v13 =	vsel vm1, $0x2, v13;
	v4 =	vsel vm13, v10, v4  }
0x1f: {  	v13 =	vsel vm2, $0x3, v13;
	vm14 =	vgt.f32 v11, v4  }
0x20: {  	v13 =	vsel vm3, $0x4, v13;
	v14 =	vsel vm14, v11, v4  }
0x21: {  	v4 =	vsel vm13, $0x5, v13;
	vm15 =	vgt.f32 v12, v14  }
0x22: {  	v4 =	vsel vm14, $0x6, v4;
	vm0 =	vmneg vm15  }
0x23: {  	vm4 =	vlt.f32 v5, $-Inf;
	vm5 =	vgt.f32 v5, $-Inf;
	v4 =	vnsel vm0, $0x7, v4  }
0x24: {  	vm1 =	vmor vm5, vm4;
	vm6 =	vne.s32 v4, $0x0  }
0x25: {  	vm1 =	vmand vm1, vm6  }
0x26: {  	v5 =	vnsel vm1, $0xFF800000, v5  }
0x27: {  	vm7 =	vne.s32 v4, $0x1;
	vm8 =	vgt.f32 v6, v5  }
0x28: {  	vm1 =	vmand vm7, vm8  }
0x29: {  	v5 =	vsel vm1, v6, v5  }
0x2a: {  	vm9 =	vne.s32 v4, $0x2;
	vm10 =	vgt.f32 v7, v5  }
0x2b: {  	vm2 =	vmand vm9, vm10  }
0x2c: {  	v5 =	vsel vm2, v7, v5  }
0x2d: {  	vm11 =	vne.s32 v4, $0x3;
	vm4 =	vgt.f32 v8, v5  }
0x2e: {  	vm3 =	vmand vm11, vm4  }
0x2f: {  	v5 =	vsel vm3, v8, v5  }
0x30: {  	vm12 =	vne.s32 v4, $0x4;
	vm5 =	vgt.f32 v9, v5  }
0x31: {  	vm4 =	vmand vm12, vm5  }
0x32: {  	v5 =	vsel vm4, v9, v5  }
0x33: {  	vm13 =	vne.s32 v4, $0x5;
	vm6 =	vgt.f32 v10, v5  }
0x34: {  	vm5 =	vmand vm13, vm6  }
0x35: {  	v5 =	vsel vm5, v10, v5  }
0x36: {  	vm14 =	vne.s32 v4, $0x6;
	vm7 =	vgt.f32 v11, v5  }
0x37: {  	vm6 =	vmand vm14, vm7  }
0x38: {  	v5 =	vsel vm6, v11, v5  }
0x39: {  	vm15 =	vgt.f32 v12, v5  }
0x3a: {  	vm7 =	vmand vm0, vm15  }
0x3b: {  	v6 =	vsel vm0, v14, v12;
	v5 =	vsel vm7, v12, v5  }
0x3c: {  	v5 =	vsub.f32 v5, v6;
	_ =	sdelay $0x1  }
0x3d: {  	v5 =	vmul.f32 $1.442695020e+00, v5;
	_ =	sdelay $0x1  }
0x3e: {  	(erf) = vpow2.f32 v5;
	_ =	sdelay $0x8  }
0x3f: {  	v8 =	vpop (erf)  }
0x40: {  	v5 =	vsel vm1, $0x1, v0;
	v6 =	vadd.f32 $1.000000000e+00, v8  }
0x41: {  	v5 =	vsel vm2, $0x2, v5  }
0x42: {  	s31 =	simm.s32 $0x2040;
	v5 =	vsel vm3, $0x3, v5;
	(erf) = vrcp.f32 v6  }
0x43: {  	[tilespmem:s31+$0xFFFFFFC0] =	vst v3;
	v5 =	vsel vm4, $0x4, v5  }
0x44: {  	[tilespmem:s31+$0xFFFFFFD0] =	vst v3;
	v5 =	vsel vm5, $0x5, v5;
	v6 =	vor.u32 s2, v2  }
0x45: {  	[tilespmem:s31+$0xFFFFFFE0] =	vst v3;
	v5 =	vsel vm6, $0x6, v5;
	v7 =	vshll.u32 v6, $0x3  }
0x46: {  	[tilespmem:s31+$0xFFFFFFF0] =	vst v3;
	v5 =	vsel vm7, $0x7, v5;
	v61 =	vadd.s32 v7, v4  }
0x47: {  	[tilespmem:s31+$0x0] =	vst v3;
	v62 =	vadd.s32 v7, v5  }
0x48: {  	[tilespmem:s31+$0x10] =	vst v3;
	v7 =	vshll.u32 v6, $0x1  }
0x49: {  	[tilespmem:s31+$0x20] =	vst v3;
	v6 =	vor.u32 $0x1, v7  }
0x4a: {  	[tilespmem:s31+$0x30] =	vst v3  }
0x4b: {  	[tilespmem:v61+s9+$0x0] =	vst.idx.msk $0xffff, v1;
	v63 =	vpop (erf)  }
0x4c: {  	[tilespmem:v62+s9+$0x0] =	vst.idx.msk $0xffff, v1;
	v8 =	vmul.f32 v63, v8  }
0x4d: {  	s19 =	simm.s32 $0x20;
	s14 =	simm.s32 $0x10;
	[tilespmem:v7+s10+$0x0] =	vst.idx.msk $0xffff, v63  }
0x4e: {  	s15 =	simm.s32 $0x80;
	s16 =	sand.u32 $0x70, s14;
	s13 =	simm.s32 $0x20C0;
	[tilespmem:v6+s10+$0x0] =	vst.idx.msk $0xffff, v8  }
.LBB2_2:
0x4f: {  	s20 =	sand.u32 $0x70, s19  }
0x50: {  	s21 =	sand.u32 $0x1C00, s15;
	[tilespmem:v7+s11+$0x0] =	vst.idx.msk $0xffff, v4;
	s18 =	smov.u32 s19;
	s17 =	sadd.s32 $0x10, s19  }
0x51: {  	p0 =	sne.s32 s19, $0x3F0;
	s19 =	sor.u32 s16, s21;
	[tilespmem:v6+s11+$0x0] =	vst.idx.msk $0xffff, v5;
	s16 =	smov.u32 s20  }
0x52: {  	v5 =	vld [tilespmem:s19+$0x0]  }
0x53: {  	v6 =	vld [tilespmem:s19+$0x80]  }
0x54: {  	v7 =	vld [tilespmem:s19+$0x100];
	_ =	sdelay $0x1  }
0x55: {  	v8 =	vld [tilespmem:s19+$0x180]  }
0x56: {  	vm0 =	vlt.f32 v5, $-Inf;
	vm1 =	vgt.f32 v5, $-Inf  }
0x57: {  	v9 =	vld [tilespmem:s19+$0x200];
	vm2 =	vgt.f32 v6, v5;
	vm1 =	vmor vm1, vm0  }
0x58: {  	v4 =	vsel vm2, v6, v5  }
0x59: {  	v10 =	vld [tilespmem:s19+$0x280];
	vm0 =	vgt.f32 v7, v4  }
0x5a: {  	v4 =	vsel vm0, v7, v4  }
0x5b: {  	v11 =	vld [tilespmem:s19+$0x300];
	s19 =	sor.u32 s15, s14;
	vm3 =	vgt.f32 v8, v4  }
0x5c: {  	s19 =	sor.u32 $0x380, s19;
	v4 =	vsel vm3, v8, v4  }
0x5d: {  	v12 =	vld [tilespmem:s19+$0x0];
	vm4 =	vgt.f32 v9, v4  }
0x5e: {  	v13 =	vsel vm2, $0x1, v0;
	v4 =	vsel vm4, v9, v4;
	[tilespmem:s13+$0xFFFFFFC0] =	vst v3  }
0x5f: {  	v13 =	vsel vm0, $0x2, v13;
	vm0 =	vgt.f32 v10, v4;
	[tilespmem:s13+$0xFFFFFFD0] =	vst v3  }
0x60: {  	v13 =	vsel vm3, $0x3, v13;
	v4 =	vsel vm0, v10, v4;
	[tilespmem:s13+$0xFFFFFFE0] =	vst v3  }
0x61: {  	v13 =	vsel vm4, $0x4, v13;
	vm2 =	vgt.f32 v11, v4;
	[tilespmem:s13+$0xFFFFFFF0] =	vst v3  }
0x62: {  	v13 =	vsel vm0, $0x5, v13;
	v4 =	vsel vm2, v11, v4;
	[tilespmem:s13+$0x0] =	vst v3  }
0x63: {  	v13 =	vsel vm2, $0x6, v13;
	vm0 =	vgt.f32 v12, v4;
	[tilespmem:s13+$0x10] =	vst v3  }
0x64: {  	v14 =	vor.u32 s14, v2;
	s14 =	smov.u32 s18;
	vm0 =	vmneg vm0;
	[tilespmem:s13+$0x20] =	vst v3  }
0x65: {  	v15 =	vsel vm0, v4, v12;
	v4 =	vnsel vm0, $0x7, v13;
	[tilespmem:s13+$0x30] =	vst v3;
	v13 =	vshll.u32 v14, $0x3  }
0x66: {  	vm2 =	vne.s32 v4, $0x0;
	v16 =	vadd.s32 v13, v4  }
0x67: {  	vm1 =	vmand vm1, vm2  }
0x68: {  	v5 =	vnsel vm1, $0xFF800000, v5;
	vm1 =	vne.s32 v4, $0x1  }
0x69: {  	vm2 =	vgt.f32 v6, v5  }
0x6a: {  	vm1 =	vmand vm1, vm2  }
0x6b: {  	vm2 =	vne.s32 v4, $0x2;
	v5 =	vsel vm1, v6, v5;
	[tilespmem:v16+s9+$0x0] =	vst.idx.msk $0xffff, v1  }
0x6c: {  	vm3 =	vgt.f32 v7, v5  }
0x6d: {  	vm2 =	vmand vm2, vm3  }
0x6e: {  	vm3 =	vne.s32 v4, $0x3;
	v5 =	vsel vm2, v7, v5  }
0x6f: {  	vm4 =	vgt.f32 v8, v5  }
0x70: {  	vm3 =	vmand vm3, vm4  }
0x71: {  	vm4 =	vne.s32 v4, $0x4;
	v5 =	vsel vm3, v8, v5  }
0x72: {  	vm5 =	vgt.f32 v9, v5  }
0x73: {  	vm4 =	vmand vm4, vm5  }
0x74: {  	vm5 =	vne.s32 v4, $0x5;
	v5 =	vsel vm4, v9, v5  }
0x75: {  	vm6 =	vgt.f32 v10, v5  }
0x76: {  	vm5 =	vmand vm5, vm6  }
0x77: {  	vm6 =	vne.s32 v4, $0x6;
	v5 =	vsel vm5, v10, v5  }
0x78: {  	vm7 =	vgt.f32 v11, v5  }
0x79: {  	vm6 =	vmand vm6, vm7  }
0x7a: {  	v5 =	vsel vm6, v11, v5  }
0x7b: {  	vm7 =	vgt.f32 v12, v5  }
0x7c: {  	vm0 =	vmand vm0, vm7  }
0x7d: {  	v5 =	vsel vm0, v12, v5  }
0x7e: {  	v5 =	vsub.f32 v5, v15;
	_ =	sdelay $0x1  }
0x7f: {  	v5 =	vmul.f32 $1.442695020e+00, v5;
	_ =	sdelay $0x1  }
0x80: {  	(erf) = vpow2.f32 v5;
	_ =	sdelay $0x8  }
0x81: {  	v5 =	vsel vm1, $0x1, v0;
	v8 =	vpop (erf)  }
0x82: {  	v5 =	vsel vm2, $0x2, v5;
	v6 =	vadd.f32 $1.000000000e+00, v8  }
0x83: {  	v5 =	vsel vm3, $0x3, v5  }
0x84: {  	v5 =	vsel vm4, $0x4, v5;
	(erf) = vrcp.f32 v6  }
0x85: {  	v5 =	vsel vm5, $0x5, v5  }
0x86: {  	v5 =	vsel vm6, $0x6, v5  }
0x87: {  	v5 =	vsel vm0, $0x7, v5  }
0x88: {  	v9 =	vadd.s32 v13, v5  }
0x89: {  	v7 =	vshll.u32 v14, $0x1  }
0x8a: {  	v6 =	vor.u32 $0x1, v7;
	_ =	sdelay $0x1  }
.Ltmp0:
0x8b: {  	(pc) =	sbr.rel @p0 .LBB2_2-.Ltmp0, $3  }
0x8c: {  	[tilespmem:v9+s9+$0x0] =	vst.idx.msk $0xffff, v1;
	v9 =	vpop (erf)  }
0x8d: {  	v8 =	vmul.f32 v9, v8;
	[tilespmem:v7+s10+$0x0] =	vst.idx.msk $0xffff, v9;
	_ =	sdelay $0x1  }
0x8e: {  	s15 =	sadd.s32 $0x80, s15;
	s19 =	smov.u32 s17;
	s13 =	sadd.s32 $0x80, s13;
	[tilespmem:v6+s10+$0x0] =	vst.idx.msk $0xffff, v8  }
0x8f: {  	_ =	sdelay $0x3  }
0x90: {  	s17 =	sand.u32 $0x1C00, s15;
	[tilespmem:v7+s11+$0x0] =	vst.idx.msk $0xffff, v4  }
0x91: {  	s16 =	sor.u32 s16, s17;
	[tilespmem:v6+s11+$0x0] =	vst.idx.msk $0xffff, v5  }
0x92: {  	v4 =	vld [tilespmem:s16+$0x0]  }
0x93: {  	v5 =	vld [tilespmem:s16+$0x80];
	_ =	sdelay $0x1  }
0x94: {  	v6 =	vld [tilespmem:s16+$0x100];
	_ =	sdelay $0x1  }
0x95: {  	v7 =	vld [tilespmem:s16+$0x180]  }
0x96: {  	vm0 =	vgt.f32 v5, v4  }
0x97: {  	v8 =	vld [tilespmem:s16+$0x200];
	v9 =	vsel vm0, v5, v4  }
0x98: {  	vm1 =	vgt.f32 v6, v9  }
0x99: {  	v10 =	vld [tilespmem:s16+$0x280];
	v9 =	vsel vm1, v6, v9  }
0x9a: {  	vm2 =	vgt.f32 v7, v9  }
0x9b: {  	s31 =	sor.u32 s15, s14;
	v11 =	vld [tilespmem:s16+$0x300];
	v9 =	vsel vm2, v7, v9  }
0x9c: {  	s15 =	sor.u32 $0x380, s31;
	vm3 =	vgt.f32 v8, v9  }
0x9d: {  	v12 =	vld [tilespmem:s15+$0x0];
	v9 =	vsel vm3, v8, v9  }
0x9e: {  	v13 =	vsel vm0, $0x1, v0;
	vm13 =	vgt.f32 v10, v9  }
0x9f: {  	v13 =	vsel vm1, $0x2, v13;
	v9 =	vsel vm13, v10, v9  }
0xa0: {  	v13 =	vsel vm2, $0x3, v13;
	vm14 =	vgt.f32 v11, v9  }
0xa1: {  	v13 =	vsel vm3, $0x4, v13;
	v9 =	vsel vm14, v11, v9  }
0xa2: {  	v13 =	vsel vm13, $0x5, v13;
	vm15 =	vgt.f32 v12, v9  }
0xa3: {  	v13 =	vsel vm14, $0x6, v13;
	vm0 =	vmneg vm15  }
0xa4: {  	vm4 =	vlt.f32 v4, $-Inf;
	vm5 =	vgt.f32 v4, $-Inf;
	v13 =	vnsel vm0, $0x7, v13  }
0xa5: {  	vm1 =	vmor vm5, vm4;
	vm6 =	vne.s32 v13, $0x0  }
0xa6: {  	vm1 =	vmand vm1, vm6  }
0xa7: {  	v4 =	vnsel vm1, $0xFF800000, v4  }
0xa8: {  	vm7 =	vne.s32 v13, $0x1;
	vm8 =	vgt.f32 v5, v4  }
0xa9: {  	vm1 =	vmand vm7, vm8  }
0xaa: {  	v4 =	vsel vm1, v5, v4  }
0xab: {  	vm9 =	vne.s32 v13, $0x2;
	vm10 =	vgt.f32 v6, v4  }
0xac: {  	vm2 =	vmand vm9, vm10  }
0xad: {  	v4 =	vsel vm2, v6, v4  }
0xae: {  	vm11 =	vne.s32 v13, $0x3;
	vm4 =	vgt.f32 v7, v4  }
0xaf: {  	vm3 =	vmand vm11, vm4  }
0xb0: {  	v4 =	vsel vm3, v7, v4  }
0xb1: {  	vm12 =	vne.s32 v13, $0x4;
	vm5 =	vgt.f32 v8, v4  }
0xb2: {  	vm4 =	vmand vm12, vm5  }
0xb3: {  	v4 =	vsel vm4, v8, v4  }
0xb4: {  	vm13 =	vne.s32 v13, $0x5;
	vm6 =	vgt.f32 v10, v4  }
0xb5: {  	vm5 =	vmand vm13, vm6  }
0xb6: {  	v4 =	vsel vm5, v10, v4  }
0xb7: {  	vm14 =	vne.s32 v13, $0x6;
	vm7 =	vgt.f32 v11, v4  }
0xb8: {  	vm6 =	vmand vm14, vm7  }
0xb9: {  	v4 =	vsel vm6, v11, v4  }
0xba: {  	vm15 =	vgt.f32 v12, v4  }
0xbb: {  	vm7 =	vmand vm0, vm15  }
0xbc: {  	v5 =	vsel vm0, v9, v12;
	v4 =	vsel vm7, v12, v4  }
0xbd: {  	v4 =	vsub.f32 v4, v5;
	_ =	sdelay $0x1  }
0xbe: {  	v4 =	vmul.f32 $1.442695020e+00, v4;
	_ =	sdelay $0x1  }
0xbf: {  	(erf) = vpow2.f32 v4;
	_ =	sdelay $0x8  }
0xc0: {  	v4 =	vpop (erf)  }
0xc1: {  	v5 =	vsel vm1, $0x1, v0;
	v58 =	vadd.f32 $1.000000000e+00, v4  }
0xc2: {  	v5 =	vsel vm2, $0x2, v5  }
0xc3: {  	v5 =	vsel vm3, $0x3, v5;
	(erf) = vrcp.f32 v58  }
0xc4: {  	[tilespmem:s13+$0xFFFFFFC0] =	vst v3;
	v5 =	vsel vm4, $0x4, v5  }
0xc5: {  	v59 =	vor.u32 s14, v2;
	[tilespmem:s13+$0xFFFFFFD0] =	vst v3;
	v5 =	vsel vm5, $0x5, v5  }
0xc6: {  	v60 =	vshll.u32 v59, $0x3;
	[tilespmem:s13+$0xFFFFFFE0] =	vst v3;
	v5 =	vsel vm6, $0x6, v5  }
0xc7: {  	[tilespmem:s13+$0xFFFFFFF0] =	vst v3;
	v61 =	vadd.s32 v60, v13;
	v5 =	vsel vm7, $0x7, v5  }
0xc8: {  	[tilespmem:s13+$0x0] =	vst v3;
	v7 =	vadd.s32 v60, v5  }
0xc9: {  	[tilespmem:s13+$0x10] =	vst v3;
	v6 =	vshll.u32 v59, $0x1  }
0xca: {  	[tilespmem:s13+$0x20] =	vst v3;
	v62 =	vor.u32 $0x1, v6  }
0xcb: {  	[tilespmem:s13+$0x30] =	vst v3  }
0xcc: {  	[tilespmem:v61+s9+$0x0] =	vst.idx.msk $0xffff, v1;
	v63 =	vpop (erf)  }
0xcd: {  	[tilespmem:v7+s9+$0x0] =	vst.idx.msk $0xffff, v1;
	v4 =	vmul.f32 v63, v4  }
0xce: {  	[tilespmem:v6+s10+$0x0] =	vst.idx.msk $0xffff, v63  }
0xcf: {  	[tilespmem:v62+s10+$0x0] =	vst.idx.msk $0xffff, v4  }
0xd0: {  	[tilespmem:v6+s11+$0x0] =	vst.idx.msk $0xffff, v13  }
0xd1: {  	[tilespmem:v62+s11+$0x0] =	vst.idx.msk $0xffff, v5  }
0xd2: {  	[hbm4b:s4+s2] =	stream.linear.scatter [tilespmem:s9], [sflag:$0x1], $0x2000, $0x38;
	[tilespmem:$0x5000] =	vst v63  }
0xd3: {  	_ =	swait.ge [sflag:s8], $0x2000  }
0xd4: {  	[sflag:s8] =	ssyncset.done $0x0  }
0xd5: {  	[sflag:s8] =	ssyncadd.s32 $0xFFFFE000  }
0xd6: {  	[hbm4b:s5+s2] =	stream.linear.scatter [tilespmem:s10], [sflag:$0x1], $0x800, $0x38;
	[tilespmem:$0x5000] =	vst v63  }
0xd7: {  	s12 =	sadd.s32 $0x1, s12;
	_ =	swait.ge [sflag:s8], $0x800  }
0xd8: {  	p0 =	sne.s32 s12, s7;
	[sflag:s8] =	ssyncset.done $0x0  }
.Ltmp1:
0xd9: {  	[sflag:s8] =	ssyncadd.s32 $0xFFFFF800;
	(pc) =	sbr.rel @p0 .LBB2_1-.Ltmp1, $4  }
0xda: {  	[hbm4b:s6+s2] =	stream.linear.scatter [tilespmem:s11], [sflag:$0x1], $0x800, $0x38;
	[tilespmem:$0x5000] =	vst v63  }
0xdb: {  	_ =	swait.ge [sflag:s8], $0x800  }
0xdc: {  	[sflag:s8] =	ssyncset.done $0x0  }
0xdd: {  	[sflag:s8] =	ssyncadd.s32 $0xFFFFF800  }
0xde: {  	_ =	sfence.sel $0x180000  }
0xdf: {  	[bflag:$0x0] =	sbarrier.arrive $0xFFFF  }
0xe0: {  	p0 =	sne.s32 s1, $0x0;
	_ =	strace $0x90000047  }
0xe1: {  	s0 =	sadd.s32 @!p0 $0x100000, s0;
	[bflag:$0x2] =	sbarrier.arrive $0xFFFF  }
0xe2: {  	[sflag:s0] =	ssyncadd.tile.s32 @!p0 $0x1;
	_ =	shalt  }
.Lfunc_end2:
_tile_overlayer_lowered:
.L_overlay_start_2:
0xe3: {  	(tag) =	ssettag $0x2  }
0xe4: {  	s0 =	rddreg [dreg:$0x0];
	s2 =	stileid.u32  }
0xe5: {  	s1 =	rddreg [dreg:$0x1];
	p0 =	sne.s32 s2, $0x0  }
0xe6: {  	s3 =	rddreg [dreg:$0x2];
	[bflag:$0x3] =	sbarrier.arrive $0xFFFF;
	s2 =	simm.s32 @!p0 $0x1C01  }
0xe7: {  	[timem:s3], [sflag:s2] =	dma.local @!p0 [hbm:s0], s1  }
0xe8: {  	s0 =	simm.s32 @!p0 $0x1  }
0xe9: {  	_ =	swait.ge @!p0 [sflag:s0], s1  }
0xea: {  	s1 =	ssub.s32 @!p0 $0x0, s1;
	[sflag:s0] =	ssyncset.done @!p0 $0x0  }
0xeb: {  	[sflag:s0] =	ssyncadd.s32 @!p0 s1  }
0xec: {  	[bflag:$0x3] =	sbarrier.arrive $0xFFFF  }
0xed: {  	_ =	shalt  }

</sc_bundles>
